<compile_context>
chip_gen: v7x
topology: tpu7x:2x2x1
jax: 0.10.2.dev20260603
libtpu: 0.0.44.dev20260713+nightly
codegen_flags: <defaults>
</compile_context>

<pallas_src>
import jax
import jax.numpy as jnp
from jax import lax
from jax.experimental import pallas as pl
from jax.experimental.pallas import tpu as pltpu
from jax.experimental.pallas import tpu_sc as plsc


def _bf16r(x):
    u = plsc.bitcast(x, jnp.int32)
    lsb = jax.lax.shift_right_logical(u, 16) & 1
    u = (u + 0x7FFF + lsb) & jnp.int32(-65536)
    return plsc.bitcast(u, jnp.float32)


def _precise_exp(x):
    y = jnp.maximum(x * 1.4426950408889634, -120.0)
    big = 12582912.0
    n_f = (y + big) - big
    f = y - n_f
    c = (
        1.0,
        0.6931471805599453,
        0.24022650695910072,
        0.05550410866482158,
        0.009618129842071803,
        0.0013333558146428443,
        0.00015403530393381608,
    )
    p = jnp.full((16,), c[6], jnp.float32)
    for k in range(5, -1, -1):
        p = p * f + c[k]
    scale = plsc.bitcast(
        jax.lax.shift_left(n_f.astype(jnp.int32) + 127, 23), jnp.float32
    )
    return p * scale


def _sc_body(x_hbm, out_hbm, v, ov):
    pltpu.sync_copy(x_hbm, v)

    lane = lax.iota(jnp.int32, 16)
    j_of = lane % 4
    zero = jnp.zeros((16,), jnp.int32)
    mask_lo = lane < 4

    kvf = [10.0 * plsc.load_gather(v, [1 + j_of, zero + d]) for d in range(4)]
    kvb = [_bf16r(x) for x in kvf]
    c4 = (kvb[0] + kvb[1]) + (kvb[2] + kvb[3])

    head = plsc.load_gather(v, [zero, jnp.where(mask_lo, lane, 0)])
    loss = 2.0 * jnp.sum(jnp.where(mask_lo, 10.0 * head, 0.0))

    q_row = jnp.minimum(2 + jax.lax.shift_right_logical(lane, 2), 4)
    s12 = jnp.zeros((16,), jnp.float32)
    for d in range(4):
        qb = _bf16r(plsc.load_gather(v, [q_row, zero + d]))
        s12 = s12 + qb * kvb[d]
    ov[...] = s12 * 0.5
    row_idx = jnp.where(mask_lo, lane, 0)
    for i in range(3):
        s_i = jnp.where(
            mask_lo, plsc.load_gather(ov, [4 * i + row_idx]), -1e30
        )
        m_i = jnp.max(s_i)
        e_i = jnp.exp(s_i - m_i)
        p_i = e_i / (jnp.zeros((16,), jnp.float32) + jnp.sum(e_i))
        loss = loss + jnp.sum(jnp.where(mask_lo, _bf16r(p_i) * c4, 0.0))

    ov[...] = jnp.full((16,), loss, jnp.float32)
    pltpu.sync_copy(ov.at[pl.ds(0, 1)], out_hbm)


_sc_call = pl.kernel(
    _sc_body,
    out_type=jax.ShapeDtypeStruct((1,), jnp.float32),
    mesh=plsc.VectorSubcoreMesh(
        core_axis_name="c", subcore_axis_name="s", num_cores=1, num_subcores=1
    ),
    scratch_types=[
        pltpu.VMEM((5, 4), jnp.float32),
        pltpu.VMEM((16,), jnp.float32),
    ],
    compiler_params=pltpu.CompilerParams(needs_layout_passes=False),
)


@jax.jit
def kernel(base_tensor):
    return jnp.reshape(_sc_call(base_tensor), ())

# --- scband reference (transcript-rebuilt; emitter-appended) ---
"""Pipeline reference for scband-my-model-61933428415536 (READ-ONLY COPY).

The authoritative reference and input builder live on the scoring server;
editing this copy changes nothing except your own understanding.
"""

import jax, jax.numpy as jnp
import numpy as np


def setup_inputs(seed: int = 0) -> dict:
    key = jax.random.key(seed)
    base_tensor = jax.random.normal(key, (5, 4), dtype=jnp.float32)
    return {"base_tensor": base_tensor}


def _attn(q, kv):
    # single-head scaled dot product attention on one ragged batch element
    scale = 1.0 / jnp.sqrt(jnp.asarray(q.shape[-1], dtype=jnp.float32))
    s = (q @ kv.T) * scale
    p = jax.nn.softmax(s, axis=-1)
    return p @ kv


def reference(base_tensor):
    t1 = base_tensor.reshape(5, 4)
    t2 = t1 * 10.0
    # jagged query: lengths [2, 3] -> n1 = [t1[:2], t1[2:5]]
    # the torch module clones+detaches the query nested tensor (self.n1g),
    # replicated here with stop_gradient (no effect on forward value)
    q0 = jax.lax.stop_gradient(t1[:2])
    q1 = jax.lax.stop_gradient(t1[2:5])
    # jagged key/value: lengths [1, 4] -> n2 = [t2[:1], t2[1:5]]
    kv0 = t2[:1]
    kv1 = t2[1:5]
    # query/key/value are unsqueezed to (B, 1 head, j, 4); SDPA over each
    # ragged batch element independently
    out0 = _attn(q0, kv0)
    out1 = _attn(q1, kv1)
    # output.values().sum() over the jagged output
    loss = out0.sum() + out1.sum()
    return loss

if __name__ == "__main__":
    import jax
    _d = setup_inputs()
    print(jax.jit(kernel)(*tuple(_d.values())))

</pallas_src>

<mosaic_0001>
#map = affine_map<(d0, d1) -> (0, 0)>
#map1 = affine_map<(d0, d1) -> (0)>
module attributes {stable_mosaic.version = 14 : i64} {
  func.func @_sc_body(%arg0: i32, %arg1: i32, %arg2: memref<5x4xf32, #tpu.memory_space<hbm>>, %arg3: memref<1xf32, #tpu.memory_space<hbm>>, %arg4: memref<5x4xf32, #tpu.memory_space<vmem>>, %arg5: memref<16xf32, #tpu.memory_space<vmem>>) attributes {dimension_semantics = [#tpu.dimension_semantics<core_parallel>, #tpu.dimension_semantics<subcore_parallel>], iteration_bounds = array<i64: 1, 1>, scalar_prefetch = 0 : i64, scratch_operands = 2 : i64, tpu.core_type = #tpu.core_type<sc_vector_subcore>, window_params = [{transform_indices = #map}, {transform_indices = #map1}]} {
    "tpu.region"() ({
      %run_scoped3A = tpu.sem_alloc : memref<!tpu.dma_semaphore, #tpu.memory_space<semaphore_mem>>
      tpu.enqueue_dma source(%arg2 : memref<5x4xf32, #tpu.memory_space<hbm>>) target(%arg4 : memref<5x4xf32, #tpu.memory_space<vmem>>) target_semaphore(%run_scoped3A : memref<!tpu.dma_semaphore, #tpu.memory_space<semaphore_mem>>)
      tpu.wait_dma2 semaphore(%run_scoped3A : memref<!tpu.dma_semaphore, #tpu.memory_space<semaphore_mem>>) src(%arg2 : memref<5x4xf32, #tpu.memory_space<hbm>>) dst(%arg4 : memref<5x4xf32, #tpu.memory_space<vmem>>)
      tpu.yield
    }) : () -> ()
    %iota3A = tpu.iota {dimensions = array<i32: 0>} : vector<16xi32>
    %jit3A = arith.constant 4 : i32
    %eq3A = arith.constant 0 : i32
    %eq3A_0 = arith.cmpi eq, %jit3A, %eq3A : i32
    %jit3A_1 = arith.constant 1 : i32
    %select_n3A = arith.select %eq3A_0, %jit3A_1, %jit3A : i32
    %rem3A = vector.broadcast %select_n3A : i32 to vector<16xi32>
    %rem3A_2 = arith.remsi %iota3A, %rem3A : vector<16xi32>
    %ne3A = arith.constant 0 : i32
    %ne3A_3 = vector.broadcast %ne3A : i32 to vector<16xi32>
    %ne3A_4 = arith.cmpi ne, %rem3A_2, %ne3A_3 : vector<16xi32>
    %lt3A = arith.constant 0 : i32
    %lt3A_5 = vector.broadcast %lt3A : i32 to vector<16xi32>
    %lt3A_6 = arith.cmpi slt, %rem3A_2, %lt3A_5 : vector<16xi32>
    %lt3A_7 = arith.constant 0 : i32
    %lt3A_8 = arith.cmpi slt, %select_n3A, %lt3A_7 : i32
    %ne3A_9 = vector.broadcast %lt3A_8 : i1 to vector<16xi1>
    %ne3A_10 = vector.broadcast %ne3A_9 : vector<16xi1> to vector<16xi1>
    %ne3A_11 = arith.xori %lt3A_6, %ne3A_10 : vector<16xi1>
    %and3A = arith.andi %ne3A_11, %ne3A_4 : vector<16xi1>
    %add3A = vector.broadcast %select_n3A : i32 to vector<16xi32>
    %add3A_12 = arith.addi %rem3A_2, %add3A : vector<16xi32>
    %select_n3A_13 = arith.select %and3A, %add3A_12, %rem3A_2 : vector<16xi1>, vector<16xi32>
    %broadcast_in_dim3A = arith.constant 0 : i32
    %broadcast_in_dim3A_14 = vector.broadcast %broadcast_in_dim3A : i32 to vector<16xi32>
    %lt3A_15 = arith.constant 4 : i32
    %lt3A_16 = vector.broadcast %lt3A_15 : i32 to vector<16xi32>
    %lt3A_17 = arith.cmpi slt, %iota3A, %lt3A_16 : vector<16xi32>
    %add3A_18 = arith.constant 1 : i32
    %add3A_19 = vector.broadcast %add3A_18 : i32 to vector<16xi32>
    %add3A_20 = arith.addi %add3A_19, %select_n3A_13 : vector<16xi32>
    %add3A_21 = arith.constant 0 : i32
    %add3A_22 = vector.broadcast %add3A_21 : i32 to vector<16xi32>
    %add3A_23 = arith.addi %broadcast_in_dim3A_14, %add3A_22 : vector<16xi32>
    %gather3A = tpu.vector_load_idx %arg4[%add3A_20, %add3A_23] : memref<5x4xf32, #tpu.memory_space<vmem>>[vector<16xi32>, vector<16xi32>], vector<16xf32>,
    %mul3A = arith.constant 1.000000e+01 : f32
    %mul3A_24 = vector.broadcast %mul3A : f32 to vector<16xf32>
    %mul3A_25 = arith.mulf %mul3A_24, %gather3A : vector<16xf32>
    %add3A_26 = arith.constant 1 : i32
    %add3A_27 = vector.broadcast %add3A_26 : i32 to vector<16xi32>
    %add3A_28 = arith.addi %add3A_27, %select_n3A_13 : vector<16xi32>
    %add3A_29 = arith.constant 1 : i32
    %add3A_30 = vector.broadcast %add3A_29 : i32 to vector<16xi32>
    %add3A_31 = arith.addi %broadcast_in_dim3A_14, %add3A_30 : vector<16xi32>
    %gather3A_32 = tpu.vector_load_idx %arg4[%add3A_28, %add3A_31] : memref<5x4xf32, #tpu.memory_space<vmem>>[vector<16xi32>, vector<16xi32>], vector<16xf32>,
    %mul3A_33 = arith.constant 1.000000e+01 : f32
    %mul3A_34 = vector.broadcast %mul3A_33 : f32 to vector<16xf32>
    %mul3A_35 = arith.mulf %mul3A_34, %gather3A_32 : vector<16xf32>
    %add3A_36 = arith.constant 1 : i32
    %add3A_37 = vector.broadcast %add3A_36 : i32 to vector<16xi32>
    %add3A_38 = arith.addi %add3A_37, %select_n3A_13 : vector<16xi32>
    %add3A_39 = arith.constant 2 : i32
    %add3A_40 = vector.broadcast %add3A_39 : i32 to vector<16xi32>
    %add3A_41 = arith.addi %broadcast_in_dim3A_14, %add3A_40 : vector<16xi32>
    %gather3A_42 = tpu.vector_load_idx %arg4[%add3A_38, %add3A_41] : memref<5x4xf32, #tpu.memory_space<vmem>>[vector<16xi32>, vector<16xi32>], vector<16xf32>,
    %mul3A_43 = arith.constant 1.000000e+01 : f32
    %mul3A_44 = vector.broadcast %mul3A_43 : f32 to vector<16xf32>
    %mul3A_45 = arith.mulf %mul3A_44, %gather3A_42 : vector<16xf32>
    %add3A_46 = arith.constant 1 : i32
    %add3A_47 = vector.broadcast %add3A_46 : i32 to vector<16xi32>
    %add3A_48 = arith.addi %add3A_47, %select_n3A_13 : vector<16xi32>
    %add3A_49 = arith.constant 3 : i32
    %add3A_50 = vector.broadcast %add3A_49 : i32 to vector<16xi32>
    %add3A_51 = arith.addi %broadcast_in_dim3A_14, %add3A_50 : vector<16xi32>
    %gather3A_52 = tpu.vector_load_idx %arg4[%add3A_48, %add3A_51] : memref<5x4xf32, #tpu.memory_space<vmem>>[vector<16xi32>, vector<16xi32>], vector<16xf32>,
    %mul3A_53 = arith.constant 1.000000e+01 : f32
    %mul3A_54 = vector.broadcast %mul3A_53 : f32 to vector<16xf32>
    %mul3A_55 = arith.mulf %mul3A_54, %gather3A_52 : vector<16xf32>
    %bitcast3A = vector.bitcast %mul3A_25 : vector<16xf32> to vector<16xi32>
    %shift_right_logical3A = arith.constant 16 : i32
    %shift_right_logical3A_56 = vector.broadcast %shift_right_logical3A : i32 to vector<16xi32>
    %shift_right_logical3A_57 = arith.shrui %bitcast3A, %shift_right_logical3A_56 : vector<16xi32>
    %and3A_58 = arith.constant 1 : i32
    %and3A_59 = vector.broadcast %and3A_58 : i32 to vector<16xi32>
    %and3A_60 = arith.andi %shift_right_logical3A_57, %and3A_59 : vector<16xi32>
    %add3A_61 = arith.constant 32767 : i32
    %add3A_62 = vector.broadcast %add3A_61 : i32 to vector<16xi32>
    %add3A_63 = arith.addi %bitcast3A, %add3A_62 : vector<16xi32>
    %add3A_64 = arith.addi %add3A_63, %and3A_60 : vector<16xi32>
    %and3A_65 = arith.constant -65536 : i32
    %and3A_66 = vector.broadcast %and3A_65 : i32 to vector<16xi32>
    %and3A_67 = arith.andi %add3A_64, %and3A_66 : vector<16xi32>
    %bitcast3A_68 = vector.bitcast %and3A_67 : vector<16xi32> to vector<16xf32>
    %bitcast3A_69 = vector.bitcast %mul3A_35 : vector<16xf32> to vector<16xi32>
    %shift_right_logical3A_70 = arith.constant 16 : i32
    %shift_right_logical3A_71 = vector.broadcast %shift_right_logical3A_70 : i32 to vector<16xi32>
    %shift_right_logical3A_72 = arith.shrui %bitcast3A_69, %shift_right_logical3A_71 : vector<16xi32>
    %and3A_73 = arith.constant 1 : i32
    %and3A_74 = vector.broadcast %and3A_73 : i32 to vector<16xi32>
    %and3A_75 = arith.andi %shift_right_logical3A_72, %and3A_74 : vector<16xi32>
    %add3A_76 = arith.constant 32767 : i32
    %add3A_77 = vector.broadcast %add3A_76 : i32 to vector<16xi32>
    %add3A_78 = arith.addi %bitcast3A_69, %add3A_77 : vector<16xi32>
    %add3A_79 = arith.addi %add3A_78, %and3A_75 : vector<16xi32>
    %and3A_80 = arith.constant -65536 : i32
    %and3A_81 = vector.broadcast %and3A_80 : i32 to vector<16xi32>
    %and3A_82 = arith.andi %add3A_79, %and3A_81 : vector<16xi32>
    %bitcast3A_83 = vector.bitcast %and3A_82 : vector<16xi32> to vector<16xf32>
    %bitcast3A_84 = vector.bitcast %mul3A_45 : vector<16xf32> to vector<16xi32>
    %shift_right_logical3A_85 = arith.constant 16 : i32
    %shift_right_logical3A_86 = vector.broadcast %shift_right_logical3A_85 : i32 to vector<16xi32>
    %shift_right_logical3A_87 = arith.shrui %bitcast3A_84, %shift_right_logical3A_86 : vector<16xi32>
    %and3A_88 = arith.constant 1 : i32
    %and3A_89 = vector.broadcast %and3A_88 : i32 to vector<16xi32>
    %and3A_90 = arith.andi %shift_right_logical3A_87, %and3A_89 : vector<16xi32>
    %add3A_91 = arith.constant 32767 : i32
    %add3A_92 = vector.broadcast %add3A_91 : i32 to vector<16xi32>
    %add3A_93 = arith.addi %bitcast3A_84, %add3A_92 : vector<16xi32>
    %add3A_94 = arith.addi %add3A_93, %and3A_90 : vector<16xi32>
    %and3A_95 = arith.constant -65536 : i32
    %and3A_96 = vector.broadcast %and3A_95 : i32 to vector<16xi32>
    %and3A_97 = arith.andi %add3A_94, %and3A_96 : vector<16xi32>
    %bitcast3A_98 = vector.bitcast %and3A_97 : vector<16xi32> to vector<16xf32>
    %bitcast3A_99 = vector.bitcast %mul3A_55 : vector<16xf32> to vector<16xi32>
    %shift_right_logical3A_100 = arith.constant 16 : i32
    %shift_right_logical3A_101 = vector.broadcast %shift_right_logical3A_100 : i32 to vector<16xi32>
    %shift_right_logical3A_102 = arith.shrui %bitcast3A_99, %shift_right_logical3A_101 : vector<16xi32>
    %and3A_103 = arith.constant 1 : i32
    %and3A_104 = vector.broadcast %and3A_103 : i32 to vector<16xi32>
    %and3A_105 = arith.andi %shift_right_logical3A_102, %and3A_104 : vector<16xi32>
    %add3A_106 = arith.constant 32767 : i32
    %add3A_107 = vector.broadcast %add3A_106 : i32 to vector<16xi32>
    %add3A_108 = arith.addi %bitcast3A_99, %add3A_107 : vector<16xi32>
    %add3A_109 = arith.addi %add3A_108, %and3A_105 : vector<16xi32>
    %and3A_110 = arith.constant -65536 : i32
    %and3A_111 = vector.broadcast %and3A_110 : i32 to vector<16xi32>
    %and3A_112 = arith.andi %add3A_109, %and3A_111 : vector<16xi32>
    %bitcast3A_113 = vector.bitcast %and3A_112 : vector<16xi32> to vector<16xf32>
    %add3A_114 = arith.addf %bitcast3A_68, %bitcast3A_83 : vector<16xf32>
    %add3A_115 = arith.addf %bitcast3A_98, %bitcast3A_113 : vector<16xf32>
    %add3A_116 = arith.addf %add3A_114, %add3A_115 : vector<16xf32>
    %jit3A_117 = arith.constant 0 : i32
    %broadcast_in_dim3A_118 = vector.broadcast %jit3A_117 : i32 to vector<16xi32>
    %select_n3A_119 = arith.select %lt3A_17, %iota3A, %broadcast_in_dim3A_118 : vector<16xi1>, vector<16xi32>
    %gather3A_120 = tpu.vector_load_idx %arg4[%broadcast_in_dim3A_14, %select_n3A_119] : memref<5x4xf32, #tpu.memory_space<vmem>>[vector<16xi32>, vector<16xi32>], vector<16xf32>,
    %mul3A_121 = arith.constant 1.000000e+01 : f32
    %mul3A_122 = vector.broadcast %mul3A_121 : f32 to vector<16xf32>
    %mul3A_123 = arith.mulf %mul3A_122, %gather3A_120 : vector<16xf32>
    %jit3A_124 = arith.constant 0.000000e+00 : f32
    %broadcast_in_dim3A_125 = vector.broadcast %jit3A_124 : f32 to vector<16xf32>
    %select_n3A_126 = arith.select %lt3A_17, %mul3A_123, %broadcast_in_dim3A_125 : vector<16xi1>, vector<16xf32>
    %reduce_sum3A = arith.constant true
    %reduce_sum3A_127 = vector.broadcast %reduce_sum3A : i1 to vector<16xi1>
    %reduce_sum3A_128 = tpu.scan <sum>, %select_n3A_126 masked %reduce_sum3A_127 : vector<16xf32>, vector<16xi1> -> vector<16xf32>
    %reduce_sum3A_129 = vector.extract %reduce_sum3A_128[15] : f32 from vector<16xf32>
    %mul3A_130 = arith.constant 2.000000e+00 : f32
    %mul3A_131 = arith.mulf %mul3A_130, %reduce_sum3A_129 : f32
    %shift_right_logical3A_132 = arith.constant 2 : i32
    %shift_right_logical3A_133 = vector.broadcast %shift_right_logical3A_132 : i32 to vector<16xi32>
    %shift_right_logical3A_134 = arith.shrui %iota3A, %shift_right_logical3A_133 : vector<16xi32>
    %add3A_135 = arith.constant 2 : i32
    %add3A_136 = vector.broadcast %add3A_135 : i32 to vector<16xi32>
    %add3A_137 = arith.addi %add3A_136, %shift_right_logical3A_134 : vector<16xi32>
    %min3A = arith.constant 4 : i32
    %min3A_138 = vector.broadcast %min3A : i32 to vector<16xi32>
    %min3A_139 = arith.minsi %add3A_137, %min3A_138 : vector<16xi32>
    %broadcast_in_dim3A_140 = arith.constant 0.000000e+00 : f32
    %broadcast_in_dim3A_141 = vector.broadcast %broadcast_in_dim3A_140 : f32 to vector<16xf32>
    %add3A_142 = arith.constant 0 : i32
    %add3A_143 = vector.broadcast %add3A_142 : i32 to vector<16xi32>
    %add3A_144 = arith.addi %broadcast_in_dim3A_14, %add3A_143 : vector<16xi32>
    %gather3A_145 = tpu.vector_load_idx %arg4[%min3A_139, %add3A_144] : memref<5x4xf32, #tpu.memory_space<vmem>>[vector<16xi32>, vector<16xi32>], vector<16xf32>,
    %bitcast3A_146 = vector.bitcast %gather3A_145 : vector<16xf32> to vector<16xi32>
    %shift_right_logical3A_147 = arith.constant 16 : i32
    %shift_right_logical3A_148 = vector.broadcast %shift_right_logical3A_147 : i32 to vector<16xi32>
    %shift_right_logical3A_149 = arith.shrui %bitcast3A_146, %shift_right_logical3A_148 : vector<16xi32>
    %and3A_150 = arith.constant 1 : i32
    %and3A_151 = vector.broadcast %and3A_150 : i32 to vector<16xi32>
    %and3A_152 = arith.andi %shift_right_logical3A_149, %and3A_151 : vector<16xi32>
    %add3A_153 = arith.constant 32767 : i32
    %add3A_154 = vector.broadcast %add3A_153 : i32 to vector<16xi32>
    %add3A_155 = arith.addi %bitcast3A_146, %add3A_154 : vector<16xi32>
    %add3A_156 = arith.addi %add3A_155, %and3A_152 : vector<16xi32>
    %and3A_157 = arith.constant -65536 : i32
    %and3A_158 = vector.broadcast %and3A_157 : i32 to vector<16xi32>
    %and3A_159 = arith.andi %add3A_156, %and3A_158 : vector<16xi32>
    %bitcast3A_160 = vector.bitcast %and3A_159 : vector<16xi32> to vector<16xf32>
    %mul3A_161 = arith.mulf %bitcast3A_160, %bitcast3A_68 : vector<16xf32>
    %add3A_162 = arith.addf %broadcast_in_dim3A_141, %mul3A_161 : vector<16xf32>
    %add3A_163 = arith.constant 1 : i32
    %add3A_164 = vector.broadcast %add3A_163 : i32 to vector<16xi32>
    %add3A_165 = arith.addi %broadcast_in_dim3A_14, %add3A_164 : vector<16xi32>
    %gather3A_166 = tpu.vector_load_idx %arg4[%min3A_139, %add3A_165] : memref<5x4xf32, #tpu.memory_space<vmem>>[vector<16xi32>, vector<16xi32>], vector<16xf32>,
    %bitcast3A_167 = vector.bitcast %gather3A_166 : vector<16xf32> to vector<16xi32>
    %shift_right_logical3A_168 = arith.constant 16 : i32
    %shift_right_logical3A_169 = vector.broadcast %shift_right_logical3A_168 : i32 to vector<16xi32>
    %shift_right_logical3A_170 = arith.shrui %bitcast3A_167, %shift_right_logical3A_169 : vector<16xi32>
    %and3A_171 = arith.constant 1 : i32
    %and3A_172 = vector.broadcast %and3A_171 : i32 to vector<16xi32>
    %and3A_173 = arith.andi %shift_right_logical3A_170, %and3A_172 : vector<16xi32>
    %add3A_174 = arith.constant 32767 : i32
    %add3A_175 = vector.broadcast %add3A_174 : i32 to vector<16xi32>
    %add3A_176 = arith.addi %bitcast3A_167, %add3A_175 : vector<16xi32>
    %add3A_177 = arith.addi %add3A_176, %and3A_173 : vector<16xi32>
    %and3A_178 = arith.constant -65536 : i32
    %and3A_179 = vector.broadcast %and3A_178 : i32 to vector<16xi32>
    %and3A_180 = arith.andi %add3A_177, %and3A_179 : vector<16xi32>
    %bitcast3A_181 = vector.bitcast %and3A_180 : vector<16xi32> to vector<16xf32>
    %mul3A_182 = arith.mulf %bitcast3A_181, %bitcast3A_83 : vector<16xf32>
    %add3A_183 = arith.addf %add3A_162, %mul3A_182 : vector<16xf32>
    %add3A_184 = arith.constant 2 : i32
    %add3A_185 = vector.broadcast %add3A_184 : i32 to vector<16xi32>
    %add3A_186 = arith.addi %broadcast_in_dim3A_14, %add3A_185 : vector<16xi32>
    %gather3A_187 = tpu.vector_load_idx %arg4[%min3A_139, %add3A_186] : memref<5x4xf32, #tpu.memory_space<vmem>>[vector<16xi32>, vector<16xi32>], vector<16xf32>,
    %bitcast3A_188 = vector.bitcast %gather3A_187 : vector<16xf32> to vector<16xi32>
    %shift_right_logical3A_189 = arith.constant 16 : i32
    %shift_right_logical3A_190 = vector.broadcast %shift_right_logical3A_189 : i32 to vector<16xi32>
    %shift_right_logical3A_191 = arith.shrui %bitcast3A_188, %shift_right_logical3A_190 : vector<16xi32>
    %and3A_192 = arith.constant 1 : i32
    %and3A_193 = vector.broadcast %and3A_192 : i32 to vector<16xi32>
    %and3A_194 = arith.andi %shift_right_logical3A_191, %and3A_193 : vector<16xi32>
    %add3A_195 = arith.constant 32767 : i32
    %add3A_196 = vector.broadcast %add3A_195 : i32 to vector<16xi32>
    %add3A_197 = arith.addi %bitcast3A_188, %add3A_196 : vector<16xi32>
    %add3A_198 = arith.addi %add3A_197, %and3A_194 : vector<16xi32>
    %and3A_199 = arith.constant -65536 : i32
    %and3A_200 = vector.broadcast %and3A_199 : i32 to vector<16xi32>
    %and3A_201 = arith.andi %add3A_198, %and3A_200 : vector<16xi32>
    %bitcast3A_202 = vector.bitcast %and3A_201 : vector<16xi32> to vector<16xf32>
    %mul3A_203 = arith.mulf %bitcast3A_202, %bitcast3A_98 : vector<16xf32>
    %add3A_204 = arith.addf %add3A_183, %mul3A_203 : vector<16xf32>
    %add3A_205 = arith.constant 3 : i32
    %add3A_206 = vector.broadcast %add3A_205 : i32 to vector<16xi32>
    %add3A_207 = arith.addi %broadcast_in_dim3A_14, %add3A_206 : vector<16xi32>
    %gather3A_208 = tpu.vector_load_idx %arg4[%min3A_139, %add3A_207] : memref<5x4xf32, #tpu.memory_space<vmem>>[vector<16xi32>, vector<16xi32>], vector<16xf32>,
    %bitcast3A_209 = vector.bitcast %gather3A_208 : vector<16xf32> to vector<16xi32>
    %shift_right_logical3A_210 = arith.constant 16 : i32
    %shift_right_logical3A_211 = vector.broadcast %shift_right_logical3A_210 : i32 to vector<16xi32>
    %shift_right_logical3A_212 = arith.shrui %bitcast3A_209, %shift_right_logical3A_211 : vector<16xi32>
    %and3A_213 = arith.constant 1 : i32
    %and3A_214 = vector.broadcast %and3A_213 : i32 to vector<16xi32>
    %and3A_215 = arith.andi %shift_right_logical3A_212, %and3A_214 : vector<16xi32>
    %add3A_216 = arith.constant 32767 : i32
    %add3A_217 = vector.broadcast %add3A_216 : i32 to vector<16xi32>
    %add3A_218 = arith.addi %bitcast3A_209, %add3A_217 : vector<16xi32>
    %add3A_219 = arith.addi %add3A_218, %and3A_215 : vector<16xi32>
    %and3A_220 = arith.constant -65536 : i32
    %and3A_221 = vector.broadcast %and3A_220 : i32 to vector<16xi32>
    %and3A_222 = arith.andi %add3A_219, %and3A_221 : vector<16xi32>
    %bitcast3A_223 = vector.bitcast %and3A_222 : vector<16xi32> to vector<16xf32>
    %mul3A_224 = arith.mulf %bitcast3A_223, %bitcast3A_113 : vector<16xf32>
    %add3A_225 = arith.addf %add3A_204, %mul3A_224 : vector<16xf32>
    %mul3A_226 = arith.constant 5.000000e-01 : f32
    %mul3A_227 = vector.broadcast %mul3A_226 : f32 to vector<16xf32>
    %mul3A_228 = arith.mulf %add3A_225, %mul3A_227 : vector<16xf32>
    %swap3A = arith.constant 0 : index
    %swap3A_229 = tpu.vector_load %arg5[%swap3A] {strides = array<i32>} : memref<16xf32, #tpu.memory_space<vmem>>, vector<16xf32>,
    tpu.vector_store %arg5[%swap3A], %mul3A_228 {strides = array<i32>} : memref<16xf32, #tpu.memory_space<vmem>>, vector<16xf32>,
    %jit3A_230 = arith.constant 0 : i32
    %broadcast_in_dim3A_231 = vector.broadcast %jit3A_230 : i32 to vector<16xi32>
    %select_n3A_232 = arith.select %lt3A_17, %iota3A, %broadcast_in_dim3A_231 : vector<16xi1>, vector<16xi32>
    %add3A_233 = arith.constant 0 : i32
    %add3A_234 = vector.broadcast %add3A_233 : i32 to vector<16xi32>
    %add3A_235 = arith.addi %add3A_234, %select_n3A_232 : vector<16xi32>
    %gather3A_236 = tpu.vector_load_idx %arg5[%add3A_235] : memref<16xf32, #tpu.memory_space<vmem>>[vector<16xi32>], vector<16xf32>,
    %jit3A_237 = arith.constant -1.000000e+30 : f32
    %broadcast_in_dim3A_238 = vector.broadcast %jit3A_237 : f32 to vector<16xf32>
    %select_n3A_239 = arith.select %lt3A_17, %gather3A_236, %broadcast_in_dim3A_238 : vector<16xi1>, vector<16xf32>
    %reduce_max3A = arith.constant true
    %reduce_max3A_240 = vector.broadcast %reduce_max3A : i1 to vector<16xi1>
    %reduce_max3A_241 = tpu.scan <max>, %select_n3A_239 masked %reduce_max3A_240 : vector<16xf32>, vector<16xi1> -> vector<16xf32>
    %reduce_max3A_242 = vector.extract %reduce_max3A_241[15] : f32 from vector<16xf32>
    %sub3A = vector.broadcast %reduce_max3A_242 : f32 to vector<16xf32>
    %sub3A_243 = arith.subf %select_n3A_239, %sub3A : vector<16xf32>
    %exp3A = math.exp %sub3A_243 : vector<16xf32>
    %broadcast_in_dim3A_244 = arith.constant 0.000000e+00 : f32
    %broadcast_in_dim3A_245 = vector.broadcast %broadcast_in_dim3A_244 : f32 to vector<16xf32>
    %reduce_sum3A_246 = arith.constant true
    %reduce_sum3A_247 = vector.broadcast %reduce_sum3A_246 : i1 to vector<16xi1>
    %reduce_sum3A_248 = tpu.scan <sum>, %exp3A masked %reduce_sum3A_247 : vector<16xf32>, vector<16xi1> -> vector<16xf32>
    %reduce_sum3A_249 = vector.extract %reduce_sum3A_248[15] : f32 from vector<16xf32>
    %add3A_250 = vector.broadcast %reduce_sum3A_249 : f32 to vector<16xf32>
    %add3A_251 = arith.addf %broadcast_in_dim3A_245, %add3A_250 : vector<16xf32>
    %div3A = arith.divf %exp3A, %add3A_251 : vector<16xf32>
    %bitcast3A_252 = vector.bitcast %div3A : vector<16xf32> to vector<16xi32>
    %shift_right_logical3A_253 = arith.constant 16 : i32
    %shift_right_logical3A_254 = vector.broadcast %shift_right_logical3A_253 : i32 to vector<16xi32>
    %shift_right_logical3A_255 = arith.shrui %bitcast3A_252, %shift_right_logical3A_254 : vector<16xi32>
    %and3A_256 = arith.constant 1 : i32
    %and3A_257 = vector.broadcast %and3A_256 : i32 to vector<16xi32>
    %and3A_258 = arith.andi %shift_right_logical3A_255, %and3A_257 : vector<16xi32>
    %add3A_259 = arith.constant 32767 : i32
    %add3A_260 = vector.broadcast %add3A_259 : i32 to vector<16xi32>
    %add3A_261 = arith.addi %bitcast3A_252, %add3A_260 : vector<16xi32>
    %add3A_262 = arith.addi %add3A_261, %and3A_258 : vector<16xi32>
    %and3A_263 = arith.constant -65536 : i32
    %and3A_264 = vector.broadcast %and3A_263 : i32 to vector<16xi32>
    %and3A_265 = arith.andi %add3A_262, %and3A_264 : vector<16xi32>
    %bitcast3A_266 = vector.bitcast %and3A_265 : vector<16xi32> to vector<16xf32>
    %mul3A_267 = arith.mulf %bitcast3A_266, %add3A_116 : vector<16xf32>
    %jit3A_268 = arith.constant 0.000000e+00 : f32
    %broadcast_in_dim3A_269 = vector.broadcast %jit3A_268 : f32 to vector<16xf32>
    %select_n3A_270 = arith.select %lt3A_17, %mul3A_267, %broadcast_in_dim3A_269 : vector<16xi1>, vector<16xf32>
    %reduce_sum3A_271 = arith.constant true
    %reduce_sum3A_272 = vector.broadcast %reduce_sum3A_271 : i1 to vector<16xi1>
    %reduce_sum3A_273 = tpu.scan <sum>, %select_n3A_270 masked %reduce_sum3A_272 : vector<16xf32>, vector<16xi1> -> vector<16xf32>
    %reduce_sum3A_274 = vector.extract %reduce_sum3A_273[15] : f32 from vector<16xf32>
    %add3A_275 = arith.addf %mul3A_131, %reduce_sum3A_274 : f32
    %add3A_276 = arith.constant 4 : i32
    %add3A_277 = vector.broadcast %add3A_276 : i32 to vector<16xi32>
    %add3A_278 = arith.addi %add3A_277, %select_n3A_232 : vector<16xi32>
    %gather3A_279 = tpu.vector_load_idx %arg5[%add3A_278] : memref<16xf32, #tpu.memory_space<vmem>>[vector<16xi32>], vector<16xf32>,
    %jit3A_280 = arith.constant -1.000000e+30 : f32
    %broadcast_in_dim3A_281 = vector.broadcast %jit3A_280 : f32 to vector<16xf32>
    %select_n3A_282 = arith.select %lt3A_17, %gather3A_279, %broadcast_in_dim3A_281 : vector<16xi1>, vector<16xf32>
    %reduce_max3A_283 = arith.constant true
    %reduce_max3A_284 = vector.broadcast %reduce_max3A_283 : i1 to vector<16xi1>
    %reduce_max3A_285 = tpu.scan <max>, %select_n3A_282 masked %reduce_max3A_284 : vector<16xf32>, vector<16xi1> -> vector<16xf32>
    %reduce_max3A_286 = vector.extract %reduce_max3A_285[15] : f32 from vector<16xf32>
    %sub3A_287 = vector.broadcast %reduce_max3A_286 : f32 to vector<16xf32>
    %sub3A_288 = arith.subf %select_n3A_282, %sub3A_287 : vector<16xf32>
    %exp3A_289 = math.exp %sub3A_288 : vector<16xf32>
    %broadcast_in_dim3A_290 = arith.constant 0.000000e+00 : f32
    %broadcast_in_dim3A_291 = vector.broadcast %broadcast_in_dim3A_290 : f32 to vector<16xf32>
    %reduce_sum3A_292 = arith.constant true
    %reduce_sum3A_293 = vector.broadcast %reduce_sum3A_292 : i1 to vector<16xi1>
    %reduce_sum3A_294 = tpu.scan <sum>, %exp3A_289 masked %reduce_sum3A_293 : vector<16xf32>, vector<16xi1> -> vector<16xf32>
    %reduce_sum3A_295 = vector.extract %reduce_sum3A_294[15] : f32 from vector<16xf32>
    %add3A_296 = vector.broadcast %reduce_sum3A_295 : f32 to vector<16xf32>
    %add3A_297 = arith.addf %broadcast_in_dim3A_291, %add3A_296 : vector<16xf32>
    %div3A_298 = arith.divf %exp3A_289, %add3A_297 : vector<16xf32>
    %bitcast3A_299 = vector.bitcast %div3A_298 : vector<16xf32> to vector<16xi32>
    %shift_right_logical3A_300 = arith.constant 16 : i32
    %shift_right_logical3A_301 = vector.broadcast %shift_right_logical3A_300 : i32 to vector<16xi32>
    %shift_right_logical3A_302 = arith.shrui %bitcast3A_299, %shift_right_logical3A_301 : vector<16xi32>
    %and3A_303 = arith.constant 1 : i32
    %and3A_304 = vector.broadcast %and3A_303 : i32 to vector<16xi32>
    %and3A_305 = arith.andi %shift_right_logical3A_302, %and3A_304 : vector<16xi32>
    %add3A_306 = arith.constant 32767 : i32
    %add3A_307 = vector.broadcast %add3A_306 : i32 to vector<16xi32>
    %add3A_308 = arith.addi %bitcast3A_299, %add3A_307 : vector<16xi32>
    %add3A_309 = arith.addi %add3A_308, %and3A_305 : vector<16xi32>
    %and3A_310 = arith.constant -65536 : i32
    %and3A_311 = vector.broadcast %and3A_310 : i32 to vector<16xi32>
    %and3A_312 = arith.andi %add3A_309, %and3A_311 : vector<16xi32>
    %bitcast3A_313 = vector.bitcast %and3A_312 : vector<16xi32> to vector<16xf32>
    %mul3A_314 = arith.mulf %bitcast3A_313, %add3A_116 : vector<16xf32>
    %jit3A_315 = arith.constant 0.000000e+00 : f32
    %broadcast_in_dim3A_316 = vector.broadcast %jit3A_315 : f32 to vector<16xf32>
    %select_n3A_317 = arith.select %lt3A_17, %mul3A_314, %broadcast_in_dim3A_316 : vector<16xi1>, vector<16xf32>
    %reduce_sum3A_318 = arith.constant true
    %reduce_sum3A_319 = vector.broadcast %reduce_sum3A_318 : i1 to vector<16xi1>
    %reduce_sum3A_320 = tpu.scan <sum>, %select_n3A_317 masked %reduce_sum3A_319 : vector<16xf32>, vector<16xi1> -> vector<16xf32>
    %reduce_sum3A_321 = vector.extract %reduce_sum3A_320[15] : f32 from vector<16xf32>
    %add3A_322 = arith.addf %add3A_275, %reduce_sum3A_321 : f32
    %add3A_323 = arith.constant 8 : i32
    %add3A_324 = vector.broadcast %add3A_323 : i32 to vector<16xi32>
    %add3A_325 = arith.addi %add3A_324, %select_n3A_232 : vector<16xi32>
    %gather3A_326 = tpu.vector_load_idx %arg5[%add3A_325] : memref<16xf32, #tpu.memory_space<vmem>>[vector<16xi32>], vector<16xf32>,
    %jit3A_327 = arith.constant -1.000000e+30 : f32
    %broadcast_in_dim3A_328 = vector.broadcast %jit3A_327 : f32 to vector<16xf32>
    %select_n3A_329 = arith.select %lt3A_17, %gather3A_326, %broadcast_in_dim3A_328 : vector<16xi1>, vector<16xf32>
    %reduce_max3A_330 = arith.constant true
    %reduce_max3A_331 = vector.broadcast %reduce_max3A_330 : i1 to vector<16xi1>
    %reduce_max3A_332 = tpu.scan <max>, %select_n3A_329 masked %reduce_max3A_331 : vector<16xf32>, vector<16xi1> -> vector<16xf32>
    %reduce_max3A_333 = vector.extract %reduce_max3A_332[15] : f32 from vector<16xf32>
    %sub3A_334 = vector.broadcast %reduce_max3A_333 : f32 to vector<16xf32>
    %sub3A_335 = arith.subf %select_n3A_329, %sub3A_334 : vector<16xf32>
    %exp3A_336 = math.exp %sub3A_335 : vector<16xf32>
    %broadcast_in_dim3A_337 = arith.constant 0.000000e+00 : f32
    %broadcast_in_dim3A_338 = vector.broadcast %broadcast_in_dim3A_337 : f32 to vector<16xf32>
    %reduce_sum3A_339 = arith.constant true
    %reduce_sum3A_340 = vector.broadcast %reduce_sum3A_339 : i1 to vector<16xi1>
    %reduce_sum3A_341 = tpu.scan <sum>, %exp3A_336 masked %reduce_sum3A_340 : vector<16xf32>, vector<16xi1> -> vector<16xf32>
    %reduce_sum3A_342 = vector.extract %reduce_sum3A_341[15] : f32 from vector<16xf32>
    %add3A_343 = vector.broadcast %reduce_sum3A_342 : f32 to vector<16xf32>
    %add3A_344 = arith.addf %broadcast_in_dim3A_338, %add3A_343 : vector<16xf32>
    %div3A_345 = arith.divf %exp3A_336, %add3A_344 : vector<16xf32>
    %bitcast3A_346 = vector.bitcast %div3A_345 : vector<16xf32> to vector<16xi32>
    %shift_right_logical3A_347 = arith.constant 16 : i32
    %shift_right_logical3A_348 = vector.broadcast %shift_right_logical3A_347 : i32 to vector<16xi32>
    %shift_right_logical3A_349 = arith.shrui %bitcast3A_346, %shift_right_logical3A_348 : vector<16xi32>
    %and3A_350 = arith.constant 1 : i32
    %and3A_351 = vector.broadcast %and3A_350 : i32 to vector<16xi32>
    %and3A_352 = arith.andi %shift_right_logical3A_349, %and3A_351 : vector<16xi32>
    %add3A_353 = arith.constant 32767 : i32
    %add3A_354 = vector.broadcast %add3A_353 : i32 to vector<16xi32>
    %add3A_355 = arith.addi %bitcast3A_346, %add3A_354 : vector<16xi32>
    %add3A_356 = arith.addi %add3A_355, %and3A_352 : vector<16xi32>
    %and3A_357 = arith.constant -65536 : i32
    %and3A_358 = vector.broadcast %and3A_357 : i32 to vector<16xi32>
    %and3A_359 = arith.andi %add3A_356, %and3A_358 : vector<16xi32>
    %bitcast3A_360 = vector.bitcast %and3A_359 : vector<16xi32> to vector<16xf32>
    %mul3A_361 = arith.mulf %bitcast3A_360, %add3A_116 : vector<16xf32>
    %jit3A_362 = arith.constant 0.000000e+00 : f32
    %broadcast_in_dim3A_363 = vector.broadcast %jit3A_362 : f32 to vector<16xf32>
    %select_n3A_364 = arith.select %lt3A_17, %mul3A_361, %broadcast_in_dim3A_363 : vector<16xi1>, vector<16xf32>
    %reduce_sum3A_365 = arith.constant true
    %reduce_sum3A_366 = vector.broadcast %reduce_sum3A_365 : i1 to vector<16xi1>
    %reduce_sum3A_367 = tpu.scan <sum>, %select_n3A_364 masked %reduce_sum3A_366 : vector<16xf32>, vector<16xi1> -> vector<16xf32>
    %reduce_sum3A_368 = vector.extract %reduce_sum3A_367[15] : f32 from vector<16xf32>
    %add3A_369 = arith.addf %add3A_322, %reduce_sum3A_368 : f32
    %broadcast_in_dim3A_370 = vector.broadcast %add3A_369 : f32 to vector<16xf32>
    %swap3A_371 = arith.constant 0 : index
    %swap3A_372 = tpu.vector_load %arg5[%swap3A_371] {strides = array<i32>} : memref<16xf32, #tpu.memory_space<vmem>>, vector<16xf32>,
    tpu.vector_store %arg5[%swap3A_371], %broadcast_in_dim3A_370 {strides = array<i32>} : memref<16xf32, #tpu.memory_space<vmem>>, vector<16xf32>,
    "tpu.region"() ({
      %run_scoped3A = tpu.sem_alloc : memref<!tpu.dma_semaphore, #tpu.memory_space<semaphore_mem>>
      %dma_start3A = arith.constant 0 : i32
      %dma_start3A_373 = tpu.memref_slice %arg5[%dma_start3A] : memref<16xf32, #tpu.memory_space<vmem>> -> memref<1xf32, #tpu.memory_space<vmem>>
      %dma_start3A_374 = arith.constant 0 : i32
      %dma_start3A_375 = tpu.memref_slice %arg5[%dma_start3A_374] : memref<16xf32, #tpu.memory_space<vmem>> -> memref<1xf32, #tpu.memory_space<vmem>>
      tpu.enqueue_dma source(%dma_start3A_375 : memref<1xf32, #tpu.memory_space<vmem>>) target(%arg3 : memref<1xf32, #tpu.memory_space<hbm>>) target_semaphore(%run_scoped3A : memref<!tpu.dma_semaphore, #tpu.memory_space<semaphore_mem>>)
      %dma_wait3A = arith.constant 0 : i32
      %dma_wait3A_376 = tpu.memref_slice %arg5[%dma_wait3A] : memref<16xf32, #tpu.memory_space<vmem>> -> memref<1xf32, #tpu.memory_space<vmem>>
      %dma_wait3A_377 = arith.constant 0 : i32
      %dma_wait3A_378 = tpu.memref_slice %arg5[%dma_wait3A_377] : memref<16xf32, #tpu.memory_space<vmem>> -> memref<1xf32, #tpu.memory_space<vmem>>
      tpu.wait_dma2 semaphore(%run_scoped3A : memref<!tpu.dma_semaphore, #tpu.memory_space<semaphore_mem>>) src(%dma_wait3A_378 : memref<1xf32, #tpu.memory_space<vmem>>) dst(%arg3 : memref<1xf32, #tpu.memory_space<hbm>>)
      tpu.yield
    }) : () -> ()
    return
  }
}

</mosaic_0001>

<sc_bundles>
// kernel: kernel.3.cloned.1.call-start
scs
__scs_entry_jumppad:
0x0: {  	(pc) =	sbr.rel $0x88, $3  }
0x1: {  	(tag) =	ssettag $0x0;
	lr =	simm.s32 $0x1  }
0x2: {  	[smem:$0x3FA0] =	sst lr;
	_ =	strace $0xD0000000  }
0x3: {  	_ = 	snop  }
0x4: {  	_ = 	snop  }
0x5: {  	_ = 	snop  }
0x6: {  	_ = 	snop  }
0x7: {  	_ = 	snop  }
__scs_overlays_trampoline_lowered:
0x8: {  	[smem:$0x3FAF] =	sst s0  }
0x9: {  	[smem:$0x3FB0] =	sst s1  }
0xa: {  	[smem:$0x3FB1] =	sst s2  }
0xb: {  	[smem:$0x3FB2] =	sst s3  }
0xc: {  	[smem:$0x3FB3] =	sst s4  }
0xd: {  	[smem:$0x3FB4] =	sst s5  }
0xe: {  	[smem:$0x3FB5] =	sst s6  }
0xf: {  	[smem:$0x3FB6] =	sst s7  }
0x10: {  	[smem:$0x3FB7] =	sst s8  }
0x11: {  	[smem:$0x3FB8] =	sst s9;
	s0 =	simm.s32 @!p0 $0x0  }
0x12: {  	s1 =	sld [smem:$0x3F9E];
	s0 =	simm.s32 @p0 $0x1  }
0x13: {  	[smem:$0x3FB9] =	sst s0;
	s0 =	simm.s32 @!p1 $0x0  }
0x14: {  	s2 =	sld [smem:$0x3F9D];
	s0 =	simm.s32 @p1 $0x1  }
0x15: {  	[smem:$0x3FBA] =	sst s0;
	s0 =	simm.s32 @!p2 $0x0  }
0x16: {  	s3 =	sld [smem:$0x3FDB];
	s0 =	simm.s32 @p2 $0x1  }
0x17: {  	s4 =	simm.s32 $0x1BF5;
	[smem:$0x3FBC] =	sst s0  }
0x18: {  	s0 =	sld [smem:$0x3F9F];
	_ =	swait.ge [sflag:s4], $0x0  }
0x19: {  	s7 =	sld [smem:$0x3FA0]  }
0x1a: {  	s8 =	sadd.s32 $0xFFFFE003, lr  }
0x1b: {  	s9 =	sadd.s32 $0xFFFFFEF7, lr;
	s5 =	simm.s32 $0xFFFFFFFF;
	p2 =	slt.u32 s8, $0xFFFFF086  }
0x1c: {  	p1 =	slt.u32 s9, $0xF7A;
	s5 =	simm.s32 @!p2 $0x0  }
0x1d: {  	s5 =	simm.s32 @p1 $0x1;
	p0 =	seq.s32 s7, s2  }
0x1e: {  	s7 =	smul.u32 @!p0 $0xF7A, s2;
	p2 =	seq.s32 @!p0 s5, $0x0  }
0x1f: {  	s9 =	smul.u32 $0xF7A, s1;
	s8 =	simm.s32 @!p0 $0x1BF5;
	p2 =	por !p2, p0  }
0x20: {  	[sflag:s8] =	ssyncset.s32 @!p0 $0xFFFFF086;
	s6 =	sadd.s32 @!p0 s3, s7;
	s7 =	simm.s32 @!p0 $0x108  }
0x21: {  	s3 =	sadd.s32 s3, s9;
	s6 =	sadd.s32 @!p0 $0x88, s6;
	s7 =	simm.s32 @p2 $0x1082  }
0x22: {  	[simem:s7], [sflag:s8] =	dma.local @!p0 [hbm:s6], $0xF7A  }
0x23: {  	s9 =	sor.u32 $0xD0000000, s2;
	s6 =	simm.s32 $0x108;
	_ =	swait.ge @!p0 [sflag:s8], $0x0  }
0x24: {  	s3 =	sadd.s32 $0x88, s3;
	s6 =	simm.s32 @!p1 $0x1082;
	[sflag:s4] =	ssyncset.s32 $0xFFFFF086  }
0x25: {  	[simem:s6], [sflag:s4] =	dma.local [hbm:s3], $0xF7A  }
0x26: {  	[smem:$0x3FA0] =	sst s1;
	(tag) =	ssettag s2;
	_ =	strace s9  }
0x27: {  	s1 =	sld [smem:$0x3FB0]  }
0x28: {  	s2 =	sld [smem:$0x3FB1]  }
0x29: {  	s4 =	sld [smem:$0x3FB3]  }
0x2a: {  	p0 =	seq.s32 s5, $0x0;
	s5 =	sld [smem:$0x3FB4]  }
0x2b: {  	s6 =	sld [smem:$0x3FB5]  }
0x2c: {  	s7 =	sld [smem:$0x3FB6]  }
0x2d: {  	s3 =	simm.s32 $0x108;
	s8 =	sld [smem:$0x3FB7]  }
0x2e: {  	s3 =	simm.s32 @!p0 $0x1082;
	s9 =	sld [smem:$0x3FB8]  }
0x2f: {  	lr =	sadd.s32 s0, s3;
	s0 =	sld [smem:$0x3FAF]  }
0x30: {  	s3 =	sld [smem:$0x3FB2]  }
0x31: {  	[smem:$0x3FBB] =	sst s10  }
0x32: {  	s10 =	sld [smem:$0x3FB9];
	_ =	sdelay $0x3  }
0x33: {  	p0 =	seq.s32 s10, $0x1;
	s10 =	sld [smem:$0x3FBB];
	_ =	sdelay $0x3  }
0x34: {  	[smem:$0x3FBB] =	sst s10  }
0x35: {  	s10 =	sld [smem:$0x3FBA];
	_ =	sdelay $0x3  }
0x36: {  	p1 =	seq.s32 s10, $0x1;
	s10 =	sld [smem:$0x3FBB];
	_ =	sdelay $0x3  }
0x37: {  	[smem:$0x3FBB] =	sst s10  }
0x38: {  	s10 =	sld [smem:$0x3FBC]  }
0x39: {  	_ = 	snop;
	(pc) =	sbr.ind lr, $3  }
0x3a: {  	_ = 	snop  }
0x3b: {  	_ = 	snop  }
0x3c: {  	p2 =	seq.s32 s10, $0x1;
	s10 =	sld [smem:$0x3FBB]  }
0x3d: {  	_ =	shalt  }
0x3e: {  	_ =	shalt  }
0x3f: {  	_ =	shalt  }
0x40: {  	_ =	shalt  }
0x41: {  	_ =	shalt  }
0x42: {  	_ =	shalt  }
0x43: {  	_ =	shalt  }
0x44: {  	_ =	shalt  }
0x45: {  	_ =	shalt  }
0x46: {  	_ =	shalt  }
0x47: {  	_ =	shalt  }
0x48: {  	_ =	shalt  }
0x49: {  	_ =	shalt  }
0x4a: {  	_ =	shalt  }
0x4b: {  	_ =	shalt  }
0x4c: {  	_ =	shalt  }
0x4d: {  	_ =	shalt  }
0x4e: {  	_ =	shalt  }
0x4f: {  	_ =	shalt  }
0x50: {  	_ =	shalt  }
0x51: {  	_ =	shalt  }
0x52: {  	_ =	shalt  }
0x53: {  	_ =	shalt  }
0x54: {  	_ =	shalt  }
0x55: {  	_ =	shalt  }
0x56: {  	_ =	shalt  }
0x57: {  	_ =	shalt  }
0x58: {  	_ =	shalt  }
0x59: {  	_ =	shalt  }
0x5a: {  	_ =	shalt  }
0x5b: {  	_ =	shalt  }
0x5c: {  	_ =	shalt  }
0x5d: {  	_ =	shalt  }
0x5e: {  	_ =	shalt  }
0x5f: {  	_ =	shalt  }
0x60: {  	_ =	shalt  }
0x61: {  	_ =	shalt  }
0x62: {  	_ =	shalt  }
0x63: {  	_ =	shalt  }
0x64: {  	_ =	shalt  }
0x65: {  	_ =	shalt  }
0x66: {  	_ =	shalt  }
0x67: {  	_ =	shalt  }
0x68: {  	_ =	shalt  }
0x69: {  	_ =	shalt  }
0x6a: {  	_ =	shalt  }
0x6b: {  	_ =	shalt  }
0x6c: {  	_ =	shalt  }
0x6d: {  	_ =	shalt  }
0x6e: {  	_ =	shalt  }
0x6f: {  	_ =	shalt  }
0x70: {  	_ =	shalt  }
0x71: {  	_ =	shalt  }
0x72: {  	_ =	shalt  }
0x73: {  	_ =	shalt  }
0x74: {  	_ =	shalt  }
0x75: {  	_ =	shalt  }
0x76: {  	_ =	shalt  }
0x77: {  	_ =	shalt  }
0x78: {  	_ =	shalt  }
0x79: {  	_ =	shalt  }
0x7a: {  	_ =	shalt  }
0x7b: {  	_ =	shalt  }
0x7c: {  	_ =	shalt  }
0x7d: {  	_ =	shalt  }
0x7e: {  	_ =	shalt  }
0x7f: {  	_ =	shalt  }
0x80: {  	_ =	shalt  }
0x81: {  	_ =	shalt  }
0x82: {  	_ =	shalt  }
0x83: {  	_ =	shalt  }
0x84: {  	_ =	shalt  }
0x85: {  	_ =	shalt  }
0x86: {  	_ =	shalt  }
0x87: {  	_ =	shalt  }
.Lfunc_end0:
.L_simem_size_0:
called_computation_lowered:
.L_overlay_start_0:
0x88: {  	s0 =	sld [smem:$0x3FD9]  }
0x89: {  	s1 =	sld [smem:$0x3FFE];
	_ =	sdelay $0x3  }
0x8a: {  	s0 =	sadd.s32 s1, s0  }
0x8b: {  	[smem:$0x3FC7] =	sst s0  }
0x8c: {  	_ = 	snop  }
0x8d: {  	s0 =	sld [smem:$0x3FD0];
	(tm) =	ssettm $0x1  }
0x8e: {  	s16 =	sld [smem:$0x3FFB];
	_ =	sdelay $0x3  }
0x8f: {  	_ =	strace s16  }
0x90: {  	s1 =	sld [smem:$0x3FFC];
	_ =	sdelay $0x3  }
0x91: {  	_ =	strace s1  }
0x92: {  	s1 =	sld [smem:$0x3FFD];
	_ =	sdelay $0x3  }
0x93: {  	_ =	strace s1  }
0x94: {  	_ =	strace $0x8FFFFFFF  }
0x95: {  	s17 =	sld [smem:$0x3FDB];
	_ =	sdelay $0x1  }
0x96: {  	s2 =	simm.s32 $_scs_section_size  }
0x97: {  	s3 =	simm.s32 $_size__tile_overlayer_lowered;
	s4 =	simm.s32 $_tile_overlayer_lowered  }
0x98: {  	s20 =	simm.s32 $0x1BFF;
	s19 =	sshll.u32 s4, $0x1;
	s1 =	sadd.s32 s2, s17  }
0x99: {  	s5 =	simm.s32 $0x0;
	s18 =	sshll.u32 s3, $0x1;
	s3 =	sadd.s32 s19, s1  }
0x9a: {  	[timem:s5], [sflag:s20] =	dma.local [hbm:s3], s18  }
0x9b: {  	_ =	swait.ge [sflag:s20], s18  }
0x9c: {  	s2 =	ssub.s32 $0x0, s18;
	[sflag:s20] =	ssyncset.done $0x0  }
0x9d: {  	[sflag:s20] =	ssyncadd.s32 s2;
	_ =	sdelay $0x1  }
0x9e: {  	s21 =	simm.s32 $0x1B8B  }
0x9f: {  	_ =	swait.ge [sflag:s21], $0x1  }
0xa0: {  	[sflag:s21] =	ssyncset.done $0x0  }
0xa1: {  	s23 =	simm.s32 $0x1B8E;
	s22 =	sld [smem:$0x3FFE];
	[sflag:s21] =	ssyncadd.s32 $0xFFFFFFFF  }
0xa2: {  	s24 =	simm.s32 $execute0_lowered;
	[smem:$0x3FD2] =	sst s23  }
0xa3: {  	s3 =	sshll.u32 s24, $0x1;
	_ =	strace $0x80000046;
	[dreg:$0x1] =	wrdreg $0xFFFFFFFF  }
0xa4: {  	s25 =	simm.s32 $_size_execute0_lowered;
	s1 =	sadd.s32 s1, s3;
	[dreg:$0x0] =	wrdreg $0x0  }
0xa5: {  	s3 =	sshll.u32 s25, $0x1;
	[dreg:$0x2] =	wrdreg s1  }
0xa6: {  	[dreg:$0x3] =	wrdreg s3  }
0xa7: {  	[dreg:$0x4] =	wrdreg $0xC0  }
0xa8: {  	_ =	task [dreg:s5], $0x5FFFF  }
0xa9: {  	[dreg:$0x1] =	wrdreg $0xFFFFFFFF  }
0xaa: {  	[dreg:$0x0] =	wrdreg $0x60  }
0xab: {  	[dreg:$0x2] =	wrdreg s22  }
0xac: {  	[dreg:$0x3] =	wrdreg s0  }
0xad: {  	[dreg:$0x4] =	wrdreg $0x9  }
0xae: {  	_ =	task.clear_ibuf [dreg:s5], $0x5FFFF;
	_ =	strace $0x90000046  }
0xaf: {  	s26 =	simm.s32 $0x9;
	_ =	strace $0x80000048  }
0xb0: {  	_ =	swait.ge [sflag:s26], $0x1  }
0xb1: {  	[sflag:s26] =	ssyncadd.s32 $0xFFFFFFFF  }
0xb2: {  	_ =	strace $0x90000048  }
0xb3: {  	_ =	sfence  }
0xb4: {  	s28 =	sld [smem:$0x0];
	_ =	sdelay $0x1  }
0xb5: {  	s29 =	srdreg.scid  }
0xb6: {  	s30 =	sshll.u32 s29, $0xD;
	s31 =	sshrl.u32 s29, $0x2  }
0xb7: {  	s2 =	sand.u32 $0x4000, s30;
	s1 =	sand.u32 $0x1, s29;
	s0 =	sadd.s32 s31, s28  }
0xb8: {  	s1 =	sor.u32 s2, s1;
	s0 =	sshll.u32 s0, $0x11  }
0xb9: {  	s0 =	sor.u32 s0, s1  }
0xba: {  	s0 =	sadd.s32 $0x8F2B, s0  }
0xbb: {  	[sflag:s0] =	ssyncadd.remote.s32 $0x1  }
0xbc: {  	_ =	sfence.sel $0xFFFF  }
0xbd: {  	[dreg:$0x0] =	wrdreg $0xFFFFFFFF;
	(pc) =	sbr.abs _section_cstart, $3  }
0xbe: {  	[dreg:$0x1] =	wrdreg $0xFFFFFFFF  }
0xbf: {  	_ =	task.clear_ibuf [dreg:s5], $0x2FFFF;
	_ =	strace $0x9FFFFFFF  }
0xc0: {  	(tm) =	ssettm $0x7FFFFFFF  }
0xc1: {  	_ =	shalt  }
tec
execute0_lowered:
.L_overlay_start_1:
0x0: {  	(tag) =	ssettag $0x1  }
0x1: {  	s3 =	stileid.u32  }
0x2: {  	p0 =	sne.s32 s3, $0x0  }
.Ltmp0:
0x3: {  	_ = 	snop;
	(pc) =	sbr.rel @p0 .LBB2_2-.Ltmp0, $4  }
0x4: {  	_ = 	snop  }
0x5: {  	s2 =	rddreg [dreg:$0x0]  }
0x6: {  	s1 =	rddreg [dreg:$0x1]  }
0x7: {  	s0 =	rddreg [dreg:$0x2];
	_ =	strace $0x80000047  }
0x8: {  	v0 =	vlaneseq.u32  }
0x9: {  	v4 =	vimm.s32 $0x200;
	vm0 =	vcmask $0xF00;
	vm1 =	vcmask $0x1F10  }
0xa: {  	v5 =	vimm.s32 $0x201;
	v7 =	vimm.s32 $0x202;
	v32 =	vimm.s32 $0x203  }
0xb: {  	v0 =	vand.u32 $0x3, v0;
	v4 =	vsel vm0, $0x100, v4;
	v5 =	vsel vm0, $0x101, v5  }
0xc: {  	s3 =	sadd.s32 $0x400, s2;
	s28 =	simm.s32 $0x0;
	s29 =	simm.s32 $0x1;
	v7 =	vsel vm0, $0x102, v7;
	v0 =	vmul.u32 $0x80, v0;
	v4 =	vsel vm1, $0x180, v4  }
0xd: {  	[tilespmem:s28], [sflag:$0x1] =	stream.linear.gather [hbm4b:s3+s28], $0x280, $0x38;
	v5 =	vsel vm1, $0x181, v5;
	v31 =	vsel vm1, $0x182, v7;
	v7 =	vsel vm0, $0x103, v32;
	[tilespmem:$0x480] =	vst v63  }
0xe: {  	_ =	swait.ge [sflag:s29], $0x280;
	v7 =	vsel vm1, $0x183, v7  }
0xf: {  	[sflag:s29] =	ssyncset.done $0x0;
	v1 =	vadd.s32 $0x80, v0  }
0x10: {  	v2 =	vadd.s32 $0x81, v0;
	[sflag:s29] =	ssyncadd.s32 $0xFFFFFD80  }
0x11: {  	v3 =	vadd.s32 $0x82, v0;
	v4 =	vld.idx.msk [tilespmem:v4+s28+$0x0], $0xffff  }
0x12: {  	v0 =	vadd.s32 $0x83, v0;
	v5 =	vld.idx.msk [tilespmem:v5+s28+$0x0], $0xffff  }
0x13: {  	v7 =	vld.idx.msk [tilespmem:v7+s28+$0x0], $0xffff  }
0x14: {  	v1 =	vld.idx.msk [tilespmem:v1+s28+$0x0], $0xffff  }
0x15: {  	v2 =	vld.idx.msk [tilespmem:v2+s28+$0x0], $0xffff  }
0x16: {  	v3 =	vld.idx.msk [tilespmem:v3+s28+$0x0], $0xffff  }
0x17: {  	v0 =	vld.idx.msk [tilespmem:v0+s28+$0x0], $0xffff;
	_ =	sdelay $0x1  }
0x18: {  	v39 =	vimm.s32 $0x3020100;
	v9 =	vshrl.u32 v4, $0x10;
	v33 =	vshrl.u32 v5, $0x10  }
0x19: {  	v9 =	vand.u32 $0x1, v9;
	v38 =	vshrl.u32 v7, $0x10;
	v1 =	vmul.f32 $1.000000000e+01, v1  }
0x1a: {  	v2 =	vmul.f32 $1.000000000e+01, v2;
	v3 =	vmul.f32 $1.000000000e+01, v3;
	v4 =	vadd.s32 v9, v4  }
0x1b: {  	v0 =	vmul.f32 $1.000000000e+01, v0;
	v4 =	vadd.s32 $0x7FFF, v4;
	v6 =	vshrl.u32 v1, $0x10  }
0x1c: {  	v8 =	vshrl.u32 v2, $0x10;
	v4 =	vand.u32 $0xFFFF0000, v4;
	v6 =	vand.u32 $0x1, v6  }
0x1d: {  	v34 =	vshrl.u32 v3, $0x10;
	v8 =	vand.u32 $0x1, v8;
	v1 =	vadd.s32 v6, v1;
	v6 =	vld.idx.msk [tilespmem:v31+s28+$0x0], $0xffff  }
0x1e: {  	v2 =	vadd.s32 v8, v2;
	v8 =	vand.u32 $0x1, v33;
	v1 =	vadd.s32 $0x7FFF, v1  }
0x1f: {  	v35 =	vshrl.u32 v0, $0x10;
	v5 =	vadd.s32 v8, v5;
	v1 =	vand.u32 $0xFFFF0000, v1  }
0x20: {  	v2 =	vadd.s32 $0x7FFF, v2;
	v5 =	vadd.s32 $0x7FFF, v5;
	v4 =	vmul.f32 v4, v1  }
0x21: {  	v9 =	vand.u32 $0x1, v35;
	v2 =	vand.u32 $0xFFFF0000, v2;
	v5 =	vand.u32 $0xFFFF0000, v5  }
0x22: {  	v5 =	vmul.f32 v5, v2;
	v4 =	vadd.f32 $0.0e+00, v4;
	v36 =	vshrl.u32 v6, $0x10  }
0x23: {  	v0 =	vadd.s32 v9, v0;
	v8 =	vand.u32 $0x1, v34;
	v37 =	vand.u32 $0x1, v36  }
0x24: {  	v3 =	vadd.s32 v8, v3;
	v4 =	vadd.f32 v5, v4;
	v5 =	vadd.s32 v37, v6  }
0x25: {  	v3 =	vadd.s32 $0x7FFF, v3;
	v6 =	vand.u32 $0x1, v38;
	v5 =	vadd.s32 $0x7FFF, v5  }
0x26: {  	v3 =	vand.u32 $0xFFFF0000, v3;
	v6 =	vadd.s32 v6, v7;
	v5 =	vand.u32 $0xFFFF0000, v5  }
0x27: {  	v0 =	vadd.s32 $0x7FFF, v0;
	v6 =	vadd.s32 $0x7FFF, v6;
	v5 =	vmul.f32 v5, v3  }
0x28: {  	v0 =	vand.u32 $0xFFFF0000, v0;
	v7 =	vunpack.c.0.s8.s32 v39;
	v6 =	vand.u32 $0xFFFF0000, v6  }
0x29: {  	vm14 =	vcmask $0x1300;
	v40 =	vmul.f32 v6, v0;
	v4 =	vadd.f32 v5, v4  }
0x2a: {  	v7 =	vnsel vm14, $0x0, v7  }
0x2b: {  	v4 =	vadd.f32 v40, v4;
	_ =	sdelay $0x1  }
0x2c: {  	v4 =	vmul.f32 $5.000000000e-01, v4;
	_ =	sdelay $0x1  }
0x2d: {  	s4 =	simm.s32 $0x400;
	v41 =	vld.idx.msk [tilespmem:v7+s28+$0x0], $0xffff;
	[tilespmem:$0x400] =	vst v4  }
0x2e: {  	v4 =	vld.idx.msk [tilespmem:v7+s4+$0x0], $0xffff;
	_ =	sdelay $0x3  }
0x2f: {  	vm15 =	vmmov $0xf  }
0x30: {  	v4 =	vnsel vm15, $0xF149F2CA, v4  }
0x31: {  	(xrf0) =	vmax.scan.msk.f32 $0xffff, v4;
	_ =	sdelay $0x5  }
0x32: {  	v42, _, _ =	vpop (xrf0)  }
0x33: {  	v6 =	vbroadcast v42, $0xF;
	_ =	sdelay $0x1  }
0x34: {  	v4 =	vsub.f32 v4, v6;
	_ =	sdelay $0x1  }
0x35: {  	v4 =	vmul.f32 $1.442695020e+00, v4;
	_ =	sdelay $0x1  }
0x36: {  	(erf) = vpow2.f32 v4;
	_ =	sdelay $0x5  }
0x37: {  	v43 =	vmul.f32 $1.000000000e+01, v41;
	_ =	sdelay $0x1  }
0x38: {  	v4 =	vnsel vm15, $0x0, v43  }
0x39: {  	v45 =	vimm.s32 $0x7060504;
	(xrf2) =	vadd.scan.msk.f32 $0xffff, v4;
	v44 =	vpop (erf)  }
0x3a: {  	v5 =	vunpack.c.0.s8.s32 v45;
	(xrf2) =	vadd.scan.msk.f32 $0xffff, v44;
	_ =	sdelay $0x1  }
0x3b: {  	v5 =	vnsel vm14, $0x4, v5;
	_ =	sdelay $0x4  }
0x3c: {  	v5 =	vld.idx.msk [tilespmem:v5+s4+$0x0], $0xffff;
	_ =	sdelay $0x1  }
0x3d: {  	v46, _, _ =	vpop (xrf2)  }
0x3e: {  	v47, _, _ =	vpop (xrf2)  }
0x3f: {  	v7 =	vadd.f32 $0.0e+00, v47  }
0x40: {  	v5 =	vnsel vm15, $0xF149F2CA, v5  }
0x41: {  	(xrf0) =	vmax.scan.msk.f32 $0xffff, v5;
	v7 =	vbroadcast v7, $0xF;
	_ =	sdelay $0x1  }
0x42: {  	(erf) = vrcp.f32 v7;
	_ =	sdelay $0x3  }
0x43: {  	v48, _, _ =	vpop (xrf0)  }
0x44: {  	v7 =	vbroadcast v48, $0xF;
	_ =	sdelay $0x1  }
0x45: {  	v5 =	vsub.f32 v5, v7;
	_ =	sdelay $0x1  }
0x46: {  	v5 =	vmul.f32 $1.442695020e+00, v5;
	v49 =	vpop (erf)  }
0x47: {  	v4 =	vmul.f32 v49, v44  }
0x48: {  	(erf) = vpow2.f32 v5  }
0x49: {  	v50 =	vshrl.u32 v4, $0x10  }
0x4a: {  	v1 =	vadd.f32 v2, v1;
	v0 =	vadd.f32 v0, v3;
	v51 =	vand.u32 $0x1, v50  }
0x4b: {  	v2 =	vadd.s32 v51, v4  }
0x4c: {  	v0 =	vadd.f32 v0, v1;
	v52 =	vadd.s32 $0x7FFF, v2  }
0x4d: {  	v1 =	vand.u32 $0xFFFF0000, v52  }
0x4e: {  	v1 =	vmul.f32 v1, v0;
	_ =	sdelay $0x1  }
0x4f: {  	v1 =	vnsel vm15, $0x0, v1  }
0x50: {  	v54 =	vimm.s32 $0xB0A0908;
	v53 =	vpop (erf);
	(xrf2) =	vadd.scan.msk.f32 $0xffff, v1  }
0x51: {  	v2 =	vunpack.c.0.s8.s32 v54;
	(xrf2) =	vadd.scan.msk.f32 $0xffff, v53;
	_ =	sdelay $0x1  }
0x52: {  	v2 =	vnsel vm14, $0x8, v2;
	_ =	sdelay $0x4  }
0x53: {  	v2 =	vld.idx.msk [tilespmem:v2+s4+$0x0], $0xffff;
	_ =	sdelay $0x1  }
0x54: {  	v55, _, _ =	vpop (xrf2)  }
0x55: {  	v56, _, _ =	vpop (xrf2)  }
0x56: {  	v4 =	vadd.f32 $0.0e+00, v56  }
0x57: {  	v2 =	vnsel vm15, $0xF149F2CA, v2  }
0x58: {  	(xrf0) =	vmax.scan.msk.f32 $0xffff, v2;
	v4 =	vbroadcast v4, $0xF;
	_ =	sdelay $0x1  }
0x59: {  	(erf) = vrcp.f32 v4;
	_ =	sdelay $0x3  }
0x5a: {  	v57, _, _ =	vpop (xrf0)  }
0x5b: {  	v4 =	vbroadcast v57, $0xF;
	_ =	sdelay $0x1  }
0x5c: {  	v2 =	vsub.f32 v2, v4;
	_ =	sdelay $0x1  }
0x5d: {  	v2 =	vmul.f32 $1.442695020e+00, v2;
	v58 =	vpop (erf)  }
0x5e: {  	v1 =	vmul.f32 v58, v53  }
0x5f: {  	(erf) = vpow2.f32 v2  }
0x60: {  	v59 =	vshrl.u32 v1, $0x10  }
0x61: {  	v2 =	vand.u32 $0x1, v59  }
0x62: {  	v1 =	vadd.s32 v2, v1  }
0x63: {  	v1 =	vadd.s32 $0x7FFF, v1  }
0x64: {  	v1 =	vand.u32 $0xFFFF0000, v1  }
0x65: {  	v1 =	vmul.f32 v1, v0;
	_ =	sdelay $0x1  }
0x66: {  	v1 =	vnsel vm15, $0x0, v1  }
0x67: {  	v60 =	vpop (erf);
	(xrf2) =	vadd.scan.msk.f32 $0xffff, v1  }
0x68: {  	(xrf2) =	vadd.scan.msk.f32 $0xffff, v60;
	_ =	sdelay $0x8  }
0x69: {  	v61, _, _ =	vpop (xrf2)  }
0x6a: {  	v62, _, _ =	vpop (xrf2)  }
0x6b: {  	v4 =	vadd.f32 $0.0e+00, v62;
	_ =	sdelay $0x1  }
0x6c: {  	v4 =	vbroadcast v4, $0xF;
	_ =	sdelay $0x1  }
0x6d: {  	(erf) = vrcp.f32 v4;
	_ =	sdelay $0x8  }
0x6e: {  	v4 =	vpop (erf)  }
0x6f: {  	v1 =	vmul.f32 v4, v60;
	_ =	sdelay $0x1  }
0x70: {  	v4 =	vshrl.u32 v1, $0x10  }
0x71: {  	v4 =	vand.u32 $0x1, v4  }
0x72: {  	v1 =	vadd.s32 v4, v1  }
0x73: {  	v1 =	vadd.s32 $0x7FFF, v1  }
0x74: {  	v1 =	vand.u32 $0xFFFF0000, v1  }
0x75: {  	v0 =	vmul.f32 v1, v0;
	_ =	sdelay $0x1  }
0x76: {  	v0 =	vnsel vm15, $0x0, v0  }
0x77: {  	(xrf2) =	vadd.scan.msk.f32 $0xffff, v0;
	_ =	sdelay $0x4  }
0x78: {  	(v2sf) =	vpush v46, $0xF;
	_ =	sdelay $0x1  }
0x79: {  	(v2sf) =	vpush v55, $0xF;
	_ =	sdelay $0x1  }
0x7a: {  	(v2sf) =	vpush v61, $0xF  }
0x7b: {  	v0, _, _ =	vpop (xrf2)  }
0x7c: {  	(v2sf) =	vpush v0, $0xF;
	_ =	sdelay $0x8  }
0x7d: {  	s5 =	spop (v2sf)  }
0x7e: {  	s5 =	sadd.f32 s5, s5  }
0x7f: {  	s6 =	spop (v2sf)  }
0x80: {  	s5 =	sadd.f32 s6, s5  }
0x81: {  	s30 =	spop (v2sf)  }
0x82: {  	s5 =	sadd.f32 s30, s5  }
0x83: {  	s31 =	spop (v2sf)  }
0x84: {  	s5 =	sadd.f32 s31, s5;
	_ =	sdelay $0x1  }
0x85: {  	v63 =	vmov s5  }
0x86: {  	[tilespmem:$0x400] =	vst v63  }
0x87: {  	[hbm4b:s1+s28] =	stream.linear.scatter [tilespmem:s4], [sflag:$0x1], $0x1, $0x38;
	[tilespmem:$0x480] =	vst v63  }
0x88: {  	_ =	swait.ge [sflag:s29], $0x1  }
0x89: {  	[sflag:s29] =	ssyncset.done $0x0  }
0x8a: {  	[sflag:s29] =	ssyncadd.s32 $0xFFFFFFFF  }
.LBB2_2:
0x8b: {  	_ =	sfence.sel $0x180000  }
0x8c: {  	[bflag:$0x0] =	sbarrier.arrive $0xFFFF  }
0x8d: {  	_ =	strace $0x90000047  }
0x8e: {  	s0 =	sadd.s32 @!p0 $0x100000, s0;
	[bflag:$0x2] =	sbarrier.arrive $0xFFFF  }
0x8f: {  	[sflag:s0] =	ssyncadd.tile.s32 @!p0 $0x1;
	_ =	shalt  }
.Lfunc_end2:
_tile_overlayer_lowered:
.L_overlay_start_2:
0x90: {  	(tag) =	ssettag $0x2  }
0x91: {  	s0 =	rddreg [dreg:$0x0];
	s2 =	stileid.u32  }
0x92: {  	s1 =	rddreg [dreg:$0x1];
	p0 =	sne.s32 s2, $0x0  }
0x93: {  	s3 =	rddreg [dreg:$0x2];
	[bflag:$0x3] =	sbarrier.arrive $0xFFFF;
	s2 =	simm.s32 @!p0 $0x1C01  }
0x94: {  	[timem:s3], [sflag:s2] =	dma.local @!p0 [hbm:s0], s1  }
0x95: {  	s0 =	simm.s32 @!p0 $0x1  }
0x96: {  	_ =	swait.ge @!p0 [sflag:s0], s1  }
0x97: {  	s1 =	ssub.s32 @!p0 $0x0, s1;
	[sflag:s0] =	ssyncset.done @!p0 $0x0  }
0x98: {  	[sflag:s0] =	ssyncadd.s32 @!p0 s1  }
0x99: {  	[bflag:$0x3] =	sbarrier.arrive $0xFFFF  }
0x9a: {  	_ =	shalt  }

</sc_bundles>
